<compile_context>
chip_gen: v7x
topology: tpu7x:2x2x1
jax: 0.10.2.dev20260603
libtpu: 0.0.44.dev20260713+nightly
codegen_flags: <defaults>
</compile_context>

<pallas_src>
import functools

import numpy as np

import jax
import jax.numpy as jnp
from jax import lax
from jax.experimental import pallas as pl
from jax.experimental.pallas import tpu as pltpu
from jax.experimental.pallas import tpu_sc as plsc

D = 64
R = 16
P = 512

_TW = 32768
_LOG_TW = 15
_QW = _TW // 4
_MASK_HI = np.uint32(0xFFFF0000)
_RND = np.uint32(0x8000)

_NC = 2
_NS = 16
_NW = _NC * _NS
_GCHUNK = 128
_PHASE = 512


def _pack_pair(a_u32, b_u32):
  return (((a_u32 + _RND) & _MASK_HI)
          | ((b_u32 + _RND) >> np.uint32(16)))


def _transpose_body(x_ref, o_ref):
  u = lax.bitcast_convert_type(x_ref[...], jnp.uint32)
  lo = _pack_pair(u[:, :_QW], u[:, _QW:2 * _QW])
  hi = _pack_pair(u[:, 2 * _QW:3 * _QW], u[:, 3 * _QW:])
  z = jnp.concatenate([lo, hi], axis=0)
  o_ref[...] = lax.bitcast_convert_type(z, jnp.float32).T


def _make_pack(n_cols):
  n_blocks = (n_cols + _TW - 1) // _TW
  return pl.pallas_call(
      _transpose_body,
      grid=(n_blocks,),
      in_specs=[pl.BlockSpec((D, _TW), lambda j: (0, j))],
      out_specs=pl.BlockSpec((_QW, 2 * D), lambda j: (j, 0)),
      out_shape=jax.ShapeDtypeStruct((n_blocks * _QW, 2 * D), jnp.float32),
      compiler_params=pltpu.CompilerParams(
          dimension_semantics=("parallel",)),
  )


def _make_sc_gather(n_idx):
  b_per_w = n_idx // _NW
  mesh = plsc.VectorSubcoreMesh(core_axis_name="c", subcore_axis_name="s")

  @functools.partial(
      pl.kernel,
      mesh=mesh,
      out_type=jax.ShapeDtypeStruct((n_idx, 2 * D), jnp.float32),
      scratch_types=[
          pltpu.VMEM((b_per_w,), jnp.int32),
          pltpu.VMEM((_PHASE, 2 * D), jnp.float32),
          pltpu.SemaphoreType.DMA,
      ],
  )
  def gather_kernel(table_hbm, idx_hbm, out_hbm, idx_v, rows_v, sem):
    wid = lax.axis_index("s") * _NC + lax.axis_index("c")
    base = wid * b_per_w
    pltpu.sync_copy(idx_hbm.at[pl.ds(base, b_per_w)], idx_v)
    for ph in range(b_per_w // _PHASE):
      copies = []
      for j in range(_PHASE // _GCHUNK):
        isl = pl.ds(ph * _PHASE + j * _GCHUNK, _GCHUNK)
        rsl = pl.ds(j * _GCHUNK, _GCHUNK)
        copies.append(
            pltpu.async_copy(table_hbm.at[idx_v.at[isl]], rows_v.at[rsl],
                             sem))
      for c in copies:
        c.wait()
      pltpu.sync_copy(rows_v, out_hbm.at[pl.ds(base + ph * _PHASE, _PHASE)])

  return gather_kernel


def _unpack_side(g, idx):
  half = ((idx >> (_LOG_TW - 1)) & 1)[:, None] == 1
  slot = ((idx >> (_LOG_TW - 2)) & 1)[:, None] == 1
  gh = jnp.where(half, g[:, D:], g[:, :D])
  u = lax.bitcast_convert_type(gh, jnp.uint32)
  va = lax.bitcast_convert_type(u & _MASK_HI, jnp.float32)
  vb = lax.bitcast_convert_type(u << np.uint32(16), jnp.float32)
  return jnp.where(slot, vb, va)


def _score_body(lhs_ref, rhs_ref, lidx_ref, ridx_ref, relidx_ref, diag_ref,
                pos_ref, ln_ref, rn_ref):
  lhs = _unpack_side(lhs_ref[0], lidx_ref[0, 0])
  rhs = _unpack_side(rhs_ref[0], ridx_ref[0, 0])
  rel = relidx_ref[0, 0]
  onehot = (rel[:, None] == lax.broadcasted_iota(jnp.int32, (P, R), 1))
  diag = jnp.dot(onehot.astype(jnp.float32), diag_ref[...],
                 preferred_element_type=jnp.float32)
  rhs_t = rhs * diag
  pos_ref[0] = jnp.sum(lhs * rhs_t, axis=1)[None, :]
  lhs_bf = lhs.astype(jnp.bfloat16)
  rhs_bf = rhs_t.astype(jnp.bfloat16)
  dn = (((1,), (1,)), ((), ()))
  ln_ref[0] = lax.dot_general(rhs_bf, lhs_bf, dn,
                              preferred_element_type=jnp.float32)
  rn_ref[0] = lax.dot_general(lhs_bf, rhs_bf, dn,
                              preferred_element_type=jnp.float32)


def _make_tc_scores(C):
  return pl.pallas_call(
      _score_body,
      grid=(C,),
      in_specs=[
          pl.BlockSpec((1, P, 2 * D), lambda c: (c, 0, 0)),
          pl.BlockSpec((1, P, 2 * D), lambda c, _C=C: (_C + c, 0, 0)),
          pl.BlockSpec((1, 1, P), lambda c: (c, 0, 0)),
          pl.BlockSpec((1, 1, P), lambda c, _C=C: (_C + c, 0, 0)),
          pl.BlockSpec((1, 1, P), lambda c: (c, 0, 0)),
          pl.BlockSpec((R, D), lambda c: (0, 0)),
      ],
      out_specs=[
          pl.BlockSpec((1, 1, P), lambda c: (c, 0, 0)),
          pl.BlockSpec((1, P, P), lambda c: (c, 0, 0)),
          pl.BlockSpec((1, P, P), lambda c: (c, 0, 0)),
      ],
      out_shape=[
          jax.ShapeDtypeStruct((C, 1, P), jnp.float32),
          jax.ShapeDtypeStruct((C, P, P), jnp.float32),
          jax.ShapeDtypeStruct((C, P, P), jnp.float32),
      ],
      compiler_params=pltpu.CompilerParams(
          dimension_semantics=("parallel",)),
  )


@jax.jit
def kernel(emb, rel_diag, lhs_idx, rhs_idx, rel_idx):
  B = lhs_idx.shape[0]
  C = B // P
  V = emb.shape[0]
  packed = _make_pack(V)(emb.T)
  idx_all = jnp.concatenate([lhs_idx, rhs_idx]).astype(jnp.int32)
  gidx = (((idx_all >> _LOG_TW) << (_LOG_TW - 2))
          | (idx_all & (_QW - 1)))
  gathered = _make_sc_gather(2 * B)(packed, gidx)
  g3 = gathered.reshape(2 * C, P, 2 * D)
  idx3 = idx_all.reshape(2 * C, 1, P)
  relidx = rel_idx.astype(jnp.int32).reshape(C, 1, P)
  pos, ln, rn = _make_tc_scores(C)(g3, g3, idx3, idx3, relidx, rel_diag)
  return pos.reshape(C, P), ln, rn

# --- scband reference (transcript-rebuilt; emitter-appended) ---
"""Pipeline reference for scband-multi-relation-embedder-74363063763189 (READ-ONLY COPY).

The authoritative reference and input builder live on the scoring server;
editing this copy changes nothing except your own understanding.
"""

import jax, jax.numpy as jnp
import numpy as np

V = 1000000
D = 64
R = 16
B = 16384
P = 512  # num_batch_negs (positives per chunk, negatives are in-batch)
C = B // P


def setup_inputs(seed: int = 0) -> dict:
    key = jax.random.key(seed)
    k1, k2, k3, k4, k5 = jax.random.split(key, 5)
    # learned parameters: entity embedding table (SimpleEmbedding) and
    # per-relation diagonal dynamic operator weights
    emb = jax.random.normal(k1, (V, D), dtype=jnp.float32) * 0.02
    rel_diag = 1.0 + 0.1 * jax.random.normal(k2, (R, D), dtype=jnp.float32)
    lhs_idx = jax.random.randint(k3, (B,), 0, V)
    rhs_idx = jax.random.randint(k4, (B,), 0, V)
    rel_idx = jax.random.randint(k5, (B,), 0, R)
    return {"emb": emb, "rel_diag": rel_diag, "lhs_idx": lhs_idx,
            "rhs_idx": rhs_idx, "rel_idx": rel_idx}


def reference(emb, rel_diag, lhs_idx, rhs_idx, rel_idx):
    # MultiRelationEmbedder forward (dynamic-relation path, dot comparator):
    # 1) embedding lookups for lhs/rhs entities
    lhs_e = jnp.take(emb, lhs_idx, axis=0)        # [B, D]
    rhs_e = jnp.take(emb, rhs_idx, axis=0)        # [B, D]
    # 2) DiagonalDynamicOperator applied to rhs side per edge relation type
    op_diag = jnp.take(rel_diag, rel_idx, axis=0)  # [B, D]
    rhs_t = rhs_e * op_diag                        # [B, D]
    # 3) chunk into C chunks of P positives; negatives are the in-batch
    #    (same-chunk) embeddings on the opposite side
    lhs_pos = lhs_e.reshape(C, P, D)
    rhs_pos = rhs_t.reshape(C, P, D)
    lhs_neg = lhs_pos                              # [C, L=P, D]
    rhs_neg = rhs_pos                              # [C, R=P, D]
    # 4) DotComparator: inner product for positives, per-chunk outer product
    #    against negatives
    pos_scores = jnp.sum(lhs_pos * rhs_pos, axis=-1)               # [C, P]
    lhs_neg_scores = jnp.einsum('cpd,cld->cpl', rhs_pos, lhs_neg)  # [C, P, L]
    rhs_neg_scores = jnp.einsum('cpd,crd->cpr', lhs_pos, rhs_neg)  # [C, P, R]
    return pos_scores, lhs_neg_scores, rhs_neg_scores

if __name__ == "__main__":
    import jax
    _d = setup_inputs()
    print(jax.jit(kernel)(*tuple(_d.values())))

</pallas_src>

<mosaic_0001>
#map = affine_map<(d0, d1) -> (0, 0)>
#map1 = affine_map<(d0, d1) -> (0)>
module attributes {stable_mosaic.version = 14 : i64} {
  func.func @gather_kernel(%arg0: i32, %arg1: i32, %arg2: memref<253952x128xf32, #tpu.memory_space<hbm>>, %arg3: memref<32768xi32, #tpu.memory_space<hbm>>, %arg4: memref<32768x128xf32, #tpu.memory_space<hbm>>, %arg5: memref<1024xi32, #tpu.memory_space<vmem>>, %arg6: memref<512x128xf32, #tpu.memory_space<vmem>>, %arg7: memref<!tpu.dma_semaphore, #tpu.memory_space<semaphore_mem>>) attributes {dimension_semantics = [#tpu.dimension_semantics<core_parallel>, #tpu.dimension_semantics<subcore_parallel>], iteration_bounds = array<i64: 2, 16>, scalar_prefetch = 0 : i64, scratch_operands = 3 : i64, tpu.core_type = #tpu.core_type<sc_vector_subcore>, window_params = [{transform_indices = #map}, {transform_indices = #map1}, {transform_indices = #map}]} {
    %mul3A = arith.constant 2 : i32
    %mul3A_0 = arith.muli %arg1, %mul3A : i32
    %add3A = arith.addi %mul3A_0, %arg0 : i32
    %mul3A_1 = arith.constant 1024 : i32
    %mul3A_2 = arith.muli %add3A, %mul3A_1 : i32
    "tpu.region"() ({
      %run_scoped3A = tpu.sem_alloc : memref<!tpu.dma_semaphore, #tpu.memory_space<semaphore_mem>>
      %dma_start3A_133 = tpu.memref_slice %arg3[%mul3A_2] : memref<32768xi32, #tpu.memory_space<hbm>> -> memref<1024xi32, #tpu.memory_space<hbm>>
      %dma_start3A_134 = tpu.memref_slice %arg3[%mul3A_2] : memref<32768xi32, #tpu.memory_space<hbm>> -> memref<1024xi32, #tpu.memory_space<hbm>>
      tpu.enqueue_dma source(%dma_start3A_134 : memref<1024xi32, #tpu.memory_space<hbm>>) target(%arg5 : memref<1024xi32, #tpu.memory_space<vmem>>) target_semaphore(%run_scoped3A : memref<!tpu.dma_semaphore, #tpu.memory_space<semaphore_mem>>)
      %dma_wait3A_135 = tpu.memref_slice %arg3[%mul3A_2] : memref<32768xi32, #tpu.memory_space<hbm>> -> memref<1024xi32, #tpu.memory_space<hbm>>
      %dma_wait3A_136 = tpu.memref_slice %arg3[%mul3A_2] : memref<32768xi32, #tpu.memory_space<hbm>> -> memref<1024xi32, #tpu.memory_space<hbm>>
      tpu.wait_dma2 semaphore(%run_scoped3A : memref<!tpu.dma_semaphore, #tpu.memory_space<semaphore_mem>>) src(%dma_wait3A_136 : memref<1024xi32, #tpu.memory_space<hbm>>) dst(%arg5 : memref<1024xi32, #tpu.memory_space<vmem>>)
      tpu.yield
    }) : () -> ()
    %dma_start3A = arith.constant 0 : i32
    %dma_start3A_3 = arith.constant 0 : i32
    %dma_start3A_4 = tpu.memref_slice %arg6[%dma_start3A, %dma_start3A_3] : memref<512x128xf32, #tpu.memory_space<vmem>> -> memref<128x128xf32, #tpu.memory_space<vmem>>
    %dma_start3A_5 = arith.constant 0 : i32
    %dma_start3A_6 = tpu.memref_slice %arg5[%dma_start3A_5] : memref<1024xi32, #tpu.memory_space<vmem>> -> memref<128xi32, #tpu.memory_space<vmem>>
    %dma_start3A_7 = arith.constant 0 : i32
    %dma_start3A_8 = arith.constant 0 : i32
    %dma_start3A_9 = tpu.memref_slice %arg2[%dma_start3A_7, %dma_start3A_8] : memref<253952x128xf32, #tpu.memory_space<hbm>> -> memref<253952x128xf32, #tpu.memory_space<hbm>>
    tpu.enqueue_indirect_dma source(%dma_start3A_9 : memref<253952x128xf32, #tpu.memory_space<hbm>>) target(%dma_start3A_4 : memref<128x128xf32, #tpu.memory_space<vmem>>) offsets(%dma_start3A_6 : memref<128xi32, #tpu.memory_space<vmem>>) semaphore(%arg7 : memref<!tpu.dma_semaphore, #tpu.memory_space<semaphore_mem>>)
    %dma_start3A_10 = arith.constant 128 : i32
    %dma_start3A_11 = arith.constant 0 : i32
    %dma_start3A_12 = tpu.memref_slice %arg6[%dma_start3A_10, %dma_start3A_11] : memref<512x128xf32, #tpu.memory_space<vmem>> -> memref<128x128xf32, #tpu.memory_space<vmem>>
    %dma_start3A_13 = arith.constant 128 : i32
    %dma_start3A_14 = tpu.memref_slice %arg5[%dma_start3A_13] : memref<1024xi32, #tpu.memory_space<vmem>> -> memref<128xi32, #tpu.memory_space<vmem>>
    %dma_start3A_15 = arith.constant 0 : i32
    %dma_start3A_16 = arith.constant 0 : i32
    %dma_start3A_17 = tpu.memref_slice %arg2[%dma_start3A_15, %dma_start3A_16] : memref<253952x128xf32, #tpu.memory_space<hbm>> -> memref<253952x128xf32, #tpu.memory_space<hbm>>
    tpu.enqueue_indirect_dma source(%dma_start3A_17 : memref<253952x128xf32, #tpu.memory_space<hbm>>) target(%dma_start3A_12 : memref<128x128xf32, #tpu.memory_space<vmem>>) offsets(%dma_start3A_14 : memref<128xi32, #tpu.memory_space<vmem>>) semaphore(%arg7 : memref<!tpu.dma_semaphore, #tpu.memory_space<semaphore_mem>>)
    %dma_start3A_18 = arith.constant 256 : i32
    %dma_start3A_19 = arith.constant 0 : i32
    %dma_start3A_20 = tpu.memref_slice %arg6[%dma_start3A_18, %dma_start3A_19] : memref<512x128xf32, #tpu.memory_space<vmem>> -> memref<128x128xf32, #tpu.memory_space<vmem>>
    %dma_start3A_21 = arith.constant 256 : i32
    %dma_start3A_22 = tpu.memref_slice %arg5[%dma_start3A_21] : memref<1024xi32, #tpu.memory_space<vmem>> -> memref<128xi32, #tpu.memory_space<vmem>>
    %dma_start3A_23 = arith.constant 0 : i32
    %dma_start3A_24 = arith.constant 0 : i32
    %dma_start3A_25 = tpu.memref_slice %arg2[%dma_start3A_23, %dma_start3A_24] : memref<253952x128xf32, #tpu.memory_space<hbm>> -> memref<253952x128xf32, #tpu.memory_space<hbm>>
    tpu.enqueue_indirect_dma source(%dma_start3A_25 : memref<253952x128xf32, #tpu.memory_space<hbm>>) target(%dma_start3A_20 : memref<128x128xf32, #tpu.memory_space<vmem>>) offsets(%dma_start3A_22 : memref<128xi32, #tpu.memory_space<vmem>>) semaphore(%arg7 : memref<!tpu.dma_semaphore, #tpu.memory_space<semaphore_mem>>)
    %dma_start3A_26 = arith.constant 384 : i32
    %dma_start3A_27 = arith.constant 0 : i32
    %dma_start3A_28 = tpu.memref_slice %arg6[%dma_start3A_26, %dma_start3A_27] : memref<512x128xf32, #tpu.memory_space<vmem>> -> memref<128x128xf32, #tpu.memory_space<vmem>>
    %dma_start3A_29 = arith.constant 384 : i32
    %dma_start3A_30 = tpu.memref_slice %arg5[%dma_start3A_29] : memref<1024xi32, #tpu.memory_space<vmem>> -> memref<128xi32, #tpu.memory_space<vmem>>
    %dma_start3A_31 = arith.constant 0 : i32
    %dma_start3A_32 = arith.constant 0 : i32
    %dma_start3A_33 = tpu.memref_slice %arg2[%dma_start3A_31, %dma_start3A_32] : memref<253952x128xf32, #tpu.memory_space<hbm>> -> memref<253952x128xf32, #tpu.memory_space<hbm>>
    tpu.enqueue_indirect_dma source(%dma_start3A_33 : memref<253952x128xf32, #tpu.memory_space<hbm>>) target(%dma_start3A_28 : memref<128x128xf32, #tpu.memory_space<vmem>>) offsets(%dma_start3A_30 : memref<128xi32, #tpu.memory_space<vmem>>) semaphore(%arg7 : memref<!tpu.dma_semaphore, #tpu.memory_space<semaphore_mem>>)
    %dma_wait3A = arith.constant 0 : i32
    %dma_wait3A_34 = arith.constant 0 : i32
    %dma_wait3A_35 = tpu.memref_slice %arg6[%dma_wait3A, %dma_wait3A_34] : memref<512x128xf32, #tpu.memory_space<vmem>> -> memref<128x128xf32, #tpu.memory_space<vmem>>
    %dma_wait3A_36 = arith.constant 0 : i32
    %dma_wait3A_37 = tpu.memref_slice %arg5[%dma_wait3A_36] : memref<1024xi32, #tpu.memory_space<vmem>> -> memref<128xi32, #tpu.memory_space<vmem>>
    %dma_wait3A_38 = arith.constant 0 : i32
    %dma_wait3A_39 = arith.constant 0 : i32
    %dma_wait3A_40 = tpu.memref_slice %arg2[%dma_wait3A_38, %dma_wait3A_39] : memref<253952x128xf32, #tpu.memory_space<hbm>> -> memref<253952x128xf32, #tpu.memory_space<hbm>>
    tpu.wait_indirect_dma semaphore(%arg7 : memref<!tpu.dma_semaphore, #tpu.memory_space<semaphore_mem>>) src(%dma_wait3A_40 : memref<253952x128xf32, #tpu.memory_space<hbm>>) dst(%dma_wait3A_35 : memref<128x128xf32, #tpu.memory_space<vmem>>)
    %dma_wait3A_41 = arith.constant 128 : i32
    %dma_wait3A_42 = arith.constant 0 : i32
    %dma_wait3A_43 = tpu.memref_slice %arg6[%dma_wait3A_41, %dma_wait3A_42] : memref<512x128xf32, #tpu.memory_space<vmem>> -> memref<128x128xf32, #tpu.memory_space<vmem>>
    %dma_wait3A_44 = arith.constant 128 : i32
    %dma_wait3A_45 = tpu.memref_slice %arg5[%dma_wait3A_44] : memref<1024xi32, #tpu.memory_space<vmem>> -> memref<128xi32, #tpu.memory_space<vmem>>
    %dma_wait3A_46 = arith.constant 0 : i32
    %dma_wait3A_47 = arith.constant 0 : i32
    %dma_wait3A_48 = tpu.memref_slice %arg2[%dma_wait3A_46, %dma_wait3A_47] : memref<253952x128xf32, #tpu.memory_space<hbm>> -> memref<253952x128xf32, #tpu.memory_space<hbm>>
    tpu.wait_indirect_dma semaphore(%arg7 : memref<!tpu.dma_semaphore, #tpu.memory_space<semaphore_mem>>) src(%dma_wait3A_48 : memref<253952x128xf32, #tpu.memory_space<hbm>>) dst(%dma_wait3A_43 : memref<128x128xf32, #tpu.memory_space<vmem>>)
    %dma_wait3A_49 = arith.constant 256 : i32
    %dma_wait3A_50 = arith.constant 0 : i32
    %dma_wait3A_51 = tpu.memref_slice %arg6[%dma_wait3A_49, %dma_wait3A_50] : memref<512x128xf32, #tpu.memory_space<vmem>> -> memref<128x128xf32, #tpu.memory_space<vmem>>
    %dma_wait3A_52 = arith.constant 256 : i32
    %dma_wait3A_53 = tpu.memref_slice %arg5[%dma_wait3A_52] : memref<1024xi32, #tpu.memory_space<vmem>> -> memref<128xi32, #tpu.memory_space<vmem>>
    %dma_wait3A_54 = arith.constant 0 : i32
    %dma_wait3A_55 = arith.constant 0 : i32
    %dma_wait3A_56 = tpu.memref_slice %arg2[%dma_wait3A_54, %dma_wait3A_55] : memref<253952x128xf32, #tpu.memory_space<hbm>> -> memref<253952x128xf32, #tpu.memory_space<hbm>>
    tpu.wait_indirect_dma semaphore(%arg7 : memref<!tpu.dma_semaphore, #tpu.memory_space<semaphore_mem>>) src(%dma_wait3A_56 : memref<253952x128xf32, #tpu.memory_space<hbm>>) dst(%dma_wait3A_51 : memref<128x128xf32, #tpu.memory_space<vmem>>)
    %dma_wait3A_57 = arith.constant 384 : i32
    %dma_wait3A_58 = arith.constant 0 : i32
    %dma_wait3A_59 = tpu.memref_slice %arg6[%dma_wait3A_57, %dma_wait3A_58] : memref<512x128xf32, #tpu.memory_space<vmem>> -> memref<128x128xf32, #tpu.memory_space<vmem>>
    %dma_wait3A_60 = arith.constant 384 : i32
    %dma_wait3A_61 = tpu.memref_slice %arg5[%dma_wait3A_60] : memref<1024xi32, #tpu.memory_space<vmem>> -> memref<128xi32, #tpu.memory_space<vmem>>
    %dma_wait3A_62 = arith.constant 0 : i32
    %dma_wait3A_63 = arith.constant 0 : i32
    %dma_wait3A_64 = tpu.memref_slice %arg2[%dma_wait3A_62, %dma_wait3A_63] : memref<253952x128xf32, #tpu.memory_space<hbm>> -> memref<253952x128xf32, #tpu.memory_space<hbm>>
    tpu.wait_indirect_dma semaphore(%arg7 : memref<!tpu.dma_semaphore, #tpu.memory_space<semaphore_mem>>) src(%dma_wait3A_64 : memref<253952x128xf32, #tpu.memory_space<hbm>>) dst(%dma_wait3A_59 : memref<128x128xf32, #tpu.memory_space<vmem>>)
    %add3A_65 = arith.constant 0 : i32
    %add3A_66 = arith.addi %mul3A_2, %add3A_65 : i32
    "tpu.region"() ({
      %run_scoped3A = tpu.sem_alloc : memref<!tpu.dma_semaphore, #tpu.memory_space<semaphore_mem>>
      %dma_start3A_133 = arith.constant 0 : i32
      %dma_start3A_134 = tpu.memref_slice %arg4[%add3A_66, %dma_start3A_133] : memref<32768x128xf32, #tpu.memory_space<hbm>> -> memref<512x128xf32, #tpu.memory_space<hbm>>
      %dma_start3A_135 = arith.constant 0 : i32
      %dma_start3A_136 = tpu.memref_slice %arg4[%add3A_66, %dma_start3A_135] : memref<32768x128xf32, #tpu.memory_space<hbm>> -> memref<512x128xf32, #tpu.memory_space<hbm>>
      tpu.enqueue_dma source(%arg6 : memref<512x128xf32, #tpu.memory_space<vmem>>) target(%dma_start3A_136 : memref<512x128xf32, #tpu.memory_space<hbm>>) target_semaphore(%run_scoped3A : memref<!tpu.dma_semaphore, #tpu.memory_space<semaphore_mem>>)
      %dma_wait3A_137 = arith.constant 0 : i32
      %dma_wait3A_138 = tpu.memref_slice %arg4[%add3A_66, %dma_wait3A_137] : memref<32768x128xf32, #tpu.memory_space<hbm>> -> memref<512x128xf32, #tpu.memory_space<hbm>>
      %dma_wait3A_139 = arith.constant 0 : i32
      %dma_wait3A_140 = tpu.memref_slice %arg4[%add3A_66, %dma_wait3A_139] : memref<32768x128xf32, #tpu.memory_space<hbm>> -> memref<512x128xf32, #tpu.memory_space<hbm>>
      tpu.wait_dma2 semaphore(%run_scoped3A : memref<!tpu.dma_semaphore, #tpu.memory_space<semaphore_mem>>) src(%arg6 : memref<512x128xf32, #tpu.memory_space<vmem>>) dst(%dma_wait3A_140 : memref<512x128xf32, #tpu.memory_space<hbm>>)
      tpu.yield
    }) : () -> ()
    %dma_start3A_67 = arith.constant 0 : i32
    %dma_start3A_68 = arith.constant 0 : i32
    %dma_start3A_69 = tpu.memref_slice %arg6[%dma_start3A_67, %dma_start3A_68] : memref<512x128xf32, #tpu.memory_space<vmem>> -> memref<128x128xf32, #tpu.memory_space<vmem>>
    %dma_start3A_70 = arith.constant 512 : i32
    %dma_start3A_71 = tpu.memref_slice %arg5[%dma_start3A_70] : memref<1024xi32, #tpu.memory_space<vmem>> -> memref<128xi32, #tpu.memory_space<vmem>>
    %dma_start3A_72 = arith.constant 0 : i32
    %dma_start3A_73 = arith.constant 0 : i32
    %dma_start3A_74 = tpu.memref_slice %arg2[%dma_start3A_72, %dma_start3A_73] : memref<253952x128xf32, #tpu.memory_space<hbm>> -> memref<253952x128xf32, #tpu.memory_space<hbm>>
    tpu.enqueue_indirect_dma source(%dma_start3A_74 : memref<253952x128xf32, #tpu.memory_space<hbm>>) target(%dma_start3A_69 : memref<128x128xf32, #tpu.memory_space<vmem>>) offsets(%dma_start3A_71 : memref<128xi32, #tpu.memory_space<vmem>>) semaphore(%arg7 : memref<!tpu.dma_semaphore, #tpu.memory_space<semaphore_mem>>)
    %dma_start3A_75 = arith.constant 128 : i32
    %dma_start3A_76 = arith.constant 0 : i32
    %dma_start3A_77 = tpu.memref_slice %arg6[%dma_start3A_75, %dma_start3A_76] : memref<512x128xf32, #tpu.memory_space<vmem>> -> memref<128x128xf32, #tpu.memory_space<vmem>>
    %dma_start3A_78 = arith.constant 640 : i32
    %dma_start3A_79 = tpu.memref_slice %arg5[%dma_start3A_78] : memref<1024xi32, #tpu.memory_space<vmem>> -> memref<128xi32, #tpu.memory_space<vmem>>
    %dma_start3A_80 = arith.constant 0 : i32
    %dma_start3A_81 = arith.constant 0 : i32
    %dma_start3A_82 = tpu.memref_slice %arg2[%dma_start3A_80, %dma_start3A_81] : memref<253952x128xf32, #tpu.memory_space<hbm>> -> memref<253952x128xf32, #tpu.memory_space<hbm>>
    tpu.enqueue_indirect_dma source(%dma_start3A_82 : memref<253952x128xf32, #tpu.memory_space<hbm>>) target(%dma_start3A_77 : memref<128x128xf32, #tpu.memory_space<vmem>>) offsets(%dma_start3A_79 : memref<128xi32, #tpu.memory_space<vmem>>) semaphore(%arg7 : memref<!tpu.dma_semaphore, #tpu.memory_space<semaphore_mem>>)
    %dma_start3A_83 = arith.constant 256 : i32
    %dma_start3A_84 = arith.constant 0 : i32
    %dma_start3A_85 = tpu.memref_slice %arg6[%dma_start3A_83, %dma_start3A_84] : memref<512x128xf32, #tpu.memory_space<vmem>> -> memref<128x128xf32, #tpu.memory_space<vmem>>
    %dma_start3A_86 = arith.constant 768 : i32
    %dma_start3A_87 = tpu.memref_slice %arg5[%dma_start3A_86] : memref<1024xi32, #tpu.memory_space<vmem>> -> memref<128xi32, #tpu.memory_space<vmem>>
    %dma_start3A_88 = arith.constant 0 : i32
    %dma_start3A_89 = arith.constant 0 : i32
    %dma_start3A_90 = tpu.memref_slice %arg2[%dma_start3A_88, %dma_start3A_89] : memref<253952x128xf32, #tpu.memory_space<hbm>> -> memref<253952x128xf32, #tpu.memory_space<hbm>>
    tpu.enqueue_indirect_dma source(%dma_start3A_90 : memref<253952x128xf32, #tpu.memory_space<hbm>>) target(%dma_start3A_85 : memref<128x128xf32, #tpu.memory_space<vmem>>) offsets(%dma_start3A_87 : memref<128xi32, #tpu.memory_space<vmem>>) semaphore(%arg7 : memref<!tpu.dma_semaphore, #tpu.memory_space<semaphore_mem>>)
    %dma_start3A_91 = arith.constant 384 : i32
    %dma_start3A_92 = arith.constant 0 : i32
    %dma_start3A_93 = tpu.memref_slice %arg6[%dma_start3A_91, %dma_start3A_92] : memref<512x128xf32, #tpu.memory_space<vmem>> -> memref<128x128xf32, #tpu.memory_space<vmem>>
    %dma_start3A_94 = arith.constant 896 : i32
    %dma_start3A_95 = tpu.memref_slice %arg5[%dma_start3A_94] : memref<1024xi32, #tpu.memory_space<vmem>> -> memref<128xi32, #tpu.memory_space<vmem>>
    %dma_start3A_96 = arith.constant 0 : i32
    %dma_start3A_97 = arith.constant 0 : i32
    %dma_start3A_98 = tpu.memref_slice %arg2[%dma_start3A_96, %dma_start3A_97] : memref<253952x128xf32, #tpu.memory_space<hbm>> -> memref<253952x128xf32, #tpu.memory_space<hbm>>
    tpu.enqueue_indirect_dma source(%dma_start3A_98 : memref<253952x128xf32, #tpu.memory_space<hbm>>) target(%dma_start3A_93 : memref<128x128xf32, #tpu.memory_space<vmem>>) offsets(%dma_start3A_95 : memref<128xi32, #tpu.memory_space<vmem>>) semaphore(%arg7 : memref<!tpu.dma_semaphore, #tpu.memory_space<semaphore_mem>>)
    %dma_wait3A_99 = arith.constant 0 : i32
    %dma_wait3A_100 = arith.constant 0 : i32
    %dma_wait3A_101 = tpu.memref_slice %arg6[%dma_wait3A_99, %dma_wait3A_100] : memref<512x128xf32, #tpu.memory_space<vmem>> -> memref<128x128xf32, #tpu.memory_space<vmem>>
    %dma_wait3A_102 = arith.constant 512 : i32
    %dma_wait3A_103 = tpu.memref_slice %arg5[%dma_wait3A_102] : memref<1024xi32, #tpu.memory_space<vmem>> -> memref<128xi32, #tpu.memory_space<vmem>>
    %dma_wait3A_104 = arith.constant 0 : i32
    %dma_wait3A_105 = arith.constant 0 : i32
    %dma_wait3A_106 = tpu.memref_slice %arg2[%dma_wait3A_104, %dma_wait3A_105] : memref<253952x128xf32, #tpu.memory_space<hbm>> -> memref<253952x128xf32, #tpu.memory_space<hbm>>
    tpu.wait_indirect_dma semaphore(%arg7 : memref<!tpu.dma_semaphore, #tpu.memory_space<semaphore_mem>>) src(%dma_wait3A_106 : memref<253952x128xf32, #tpu.memory_space<hbm>>) dst(%dma_wait3A_101 : memref<128x128xf32, #tpu.memory_space<vmem>>)
    %dma_wait3A_107 = arith.constant 128 : i32
    %dma_wait3A_108 = arith.constant 0 : i32
    %dma_wait3A_109 = tpu.memref_slice %arg6[%dma_wait3A_107, %dma_wait3A_108] : memref<512x128xf32, #tpu.memory_space<vmem>> -> memref<128x128xf32, #tpu.memory_space<vmem>>
    %dma_wait3A_110 = arith.constant 640 : i32
    %dma_wait3A_111 = tpu.memref_slice %arg5[%dma_wait3A_110] : memref<1024xi32, #tpu.memory_space<vmem>> -> memref<128xi32, #tpu.memory_space<vmem>>
    %dma_wait3A_112 = arith.constant 0 : i32
    %dma_wait3A_113 = arith.constant 0 : i32
    %dma_wait3A_114 = tpu.memref_slice %arg2[%dma_wait3A_112, %dma_wait3A_113] : memref<253952x128xf32, #tpu.memory_space<hbm>> -> memref<253952x128xf32, #tpu.memory_space<hbm>>
    tpu.wait_indirect_dma semaphore(%arg7 : memref<!tpu.dma_semaphore, #tpu.memory_space<semaphore_mem>>) src(%dma_wait3A_114 : memref<253952x128xf32, #tpu.memory_space<hbm>>) dst(%dma_wait3A_109 : memref<128x128xf32, #tpu.memory_space<vmem>>)
    %dma_wait3A_115 = arith.constant 256 : i32
    %dma_wait3A_116 = arith.constant 0 : i32
    %dma_wait3A_117 = tpu.memref_slice %arg6[%dma_wait3A_115, %dma_wait3A_116] : memref<512x128xf32, #tpu.memory_space<vmem>> -> memref<128x128xf32, #tpu.memory_space<vmem>>
    %dma_wait3A_118 = arith.constant 768 : i32
    %dma_wait3A_119 = tpu.memref_slice %arg5[%dma_wait3A_118] : memref<1024xi32, #tpu.memory_space<vmem>> -> memref<128xi32, #tpu.memory_space<vmem>>
    %dma_wait3A_120 = arith.constant 0 : i32
    %dma_wait3A_121 = arith.constant 0 : i32
    %dma_wait3A_122 = tpu.memref_slice %arg2[%dma_wait3A_120, %dma_wait3A_121] : memref<253952x128xf32, #tpu.memory_space<hbm>> -> memref<253952x128xf32, #tpu.memory_space<hbm>>
    tpu.wait_indirect_dma semaphore(%arg7 : memref<!tpu.dma_semaphore, #tpu.memory_space<semaphore_mem>>) src(%dma_wait3A_122 : memref<253952x128xf32, #tpu.memory_space<hbm>>) dst(%dma_wait3A_117 : memref<128x128xf32, #tpu.memory_space<vmem>>)
    %dma_wait3A_123 = arith.constant 384 : i32
    %dma_wait3A_124 = arith.constant 0 : i32
    %dma_wait3A_125 = tpu.memref_slice %arg6[%dma_wait3A_123, %dma_wait3A_124] : memref<512x128xf32, #tpu.memory_space<vmem>> -> memref<128x128xf32, #tpu.memory_space<vmem>>
    %dma_wait3A_126 = arith.constant 896 : i32
    %dma_wait3A_127 = tpu.memref_slice %arg5[%dma_wait3A_126] : memref<1024xi32, #tpu.memory_space<vmem>> -> memref<128xi32, #tpu.memory_space<vmem>>
    %dma_wait3A_128 = arith.constant 0 : i32
    %dma_wait3A_129 = arith.constant 0 : i32
    %dma_wait3A_130 = tpu.memref_slice %arg2[%dma_wait3A_128, %dma_wait3A_129] : memref<253952x128xf32, #tpu.memory_space<hbm>> -> memref<253952x128xf32, #tpu.memory_space<hbm>>
    tpu.wait_indirect_dma semaphore(%arg7 : memref<!tpu.dma_semaphore, #tpu.memory_space<semaphore_mem>>) src(%dma_wait3A_130 : memref<253952x128xf32, #tpu.memory_space<hbm>>) dst(%dma_wait3A_125 : memref<128x128xf32, #tpu.memory_space<vmem>>)
    %add3A_131 = arith.constant 512 : i32
    %add3A_132 = arith.addi %mul3A_2, %add3A_131 : i32
    "tpu.region"() ({
      %run_scoped3A = tpu.sem_alloc : memref<!tpu.dma_semaphore, #tpu.memory_space<semaphore_mem>>
      %dma_start3A_133 = arith.constant 0 : i32
      %dma_start3A_134 = tpu.memref_slice %arg4[%add3A_132, %dma_start3A_133] : memref<32768x128xf32, #tpu.memory_space<hbm>> -> memref<512x128xf32, #tpu.memory_space<hbm>>
      %dma_start3A_135 = arith.constant 0 : i32
      %dma_start3A_136 = tpu.memref_slice %arg4[%add3A_132, %dma_start3A_135] : memref<32768x128xf32, #tpu.memory_space<hbm>> -> memref<512x128xf32, #tpu.memory_space<hbm>>
      tpu.enqueue_dma source(%arg6 : memref<512x128xf32, #tpu.memory_space<vmem>>) target(%dma_start3A_136 : memref<512x128xf32, #tpu.memory_space<hbm>>) target_semaphore(%run_scoped3A : memref<!tpu.dma_semaphore, #tpu.memory_space<semaphore_mem>>)
      %dma_wait3A_137 = arith.constant 0 : i32
      %dma_wait3A_138 = tpu.memref_slice %arg4[%add3A_132, %dma_wait3A_137] : memref<32768x128xf32, #tpu.memory_space<hbm>> -> memref<512x128xf32, #tpu.memory_space<hbm>>
      %dma_wait3A_139 = arith.constant 0 : i32
      %dma_wait3A_140 = tpu.memref_slice %arg4[%add3A_132, %dma_wait3A_139] : memref<32768x128xf32, #tpu.memory_space<hbm>> -> memref<512x128xf32, #tpu.memory_space<hbm>>
      tpu.wait_dma2 semaphore(%run_scoped3A : memref<!tpu.dma_semaphore, #tpu.memory_space<semaphore_mem>>) src(%arg6 : memref<512x128xf32, #tpu.memory_space<vmem>>) dst(%dma_wait3A_140 : memref<512x128xf32, #tpu.memory_space<hbm>>)
      tpu.yield
    }) : () -> ()
    return
  }
}

module attributes {stable_mosaic.version = 14 : i64} {
  func.func @_transpose_body(%arg0: i32, %arg1: memref<64x32768xf32, #tpu.memory_space<vmem>>, %arg2: memref<8192x128xf32, #tpu.memory_space<vmem>>) attributes {dimension_semantics = [#tpu.dimension_semantics<parallel>], iteration_bounds = array<i64: 31>, scalar_prefetch = 0 : i64, scratch_operands = 0 : i64, tpu.core_type = #tpu.core_type<tc>, window_params = [{transform_indices = @transform_0, window_bounds = array<i64: 64, 32768>}, {transform_indices = @transform_1, window_bounds = array<i64: 8192, 128>}]} {
    %get3A = arith.constant 0 : index
    %get3A_0 = arith.constant 0 : index
    %get3A_1 = vector.load %arg1[%get3A, %get3A_0] : memref<64x32768xf32, #tpu.memory_space<vmem>>, vector<64x32768xf32>
    %bitcast_convert_type3A = tpu.bitcast %get3A_1 : vector<64x32768xf32> -> vector<64x32768xi32>
    %slice3A = vector.extract_strided_slice %bitcast_convert_type3A {offsets = [0, 0], sizes = [64, 8192], strides = [1, 1]} : vector<64x32768xi32> to vector<64x8192xi32>
    %slice3A_2 = vector.extract_strided_slice %bitcast_convert_type3A {offsets = [0, 8192], sizes = [64, 8192], strides = [1, 1]} : vector<64x32768xi32> to vector<64x8192xi32>
    %add3A = arith.constant 32768 : i32
    %add3A_3 = vector.broadcast %add3A : i32 to vector<64x8192xi32>
    %add3A_4 = arith.addi %slice3A, %add3A_3 : vector<64x8192xi32>
    %and3A = arith.constant -65536 : i32
    %and3A_5 = vector.broadcast %and3A : i32 to vector<64x8192xi32>
    %and3A_6 = arith.andi %add3A_4, %and3A_5 : vector<64x8192xi32>
    %add3A_7 = arith.constant 32768 : i32
    %add3A_8 = vector.broadcast %add3A_7 : i32 to vector<64x8192xi32>
    %add3A_9 = arith.addi %slice3A_2, %add3A_8 : vector<64x8192xi32>
    %shift_right_logical3A = arith.constant 16 : i32
    %shift_right_logical3A_10 = vector.broadcast %shift_right_logical3A : i32 to vector<64x8192xi32>
    %shift_right_logical3A_11 = arith.shrui %add3A_9, %shift_right_logical3A_10 : vector<64x8192xi32>
    %or3A = arith.ori %and3A_6, %shift_right_logical3A_11 : vector<64x8192xi32>
    %slice3A_12 = vector.extract_strided_slice %bitcast_convert_type3A {offsets = [0, 16384], sizes = [64, 8192], strides = [1, 1]} : vector<64x32768xi32> to vector<64x8192xi32>
    %slice3A_13 = vector.extract_strided_slice %bitcast_convert_type3A {offsets = [0, 24576], sizes = [64, 8192], strides = [1, 1]} : vector<64x32768xi32> to vector<64x8192xi32>
    %add3A_14 = arith.constant 32768 : i32
    %add3A_15 = vector.broadcast %add3A_14 : i32 to vector<64x8192xi32>
    %add3A_16 = arith.addi %slice3A_12, %add3A_15 : vector<64x8192xi32>
    %and3A_17 = arith.constant -65536 : i32
    %and3A_18 = vector.broadcast %and3A_17 : i32 to vector<64x8192xi32>
    %and3A_19 = arith.andi %add3A_16, %and3A_18 : vector<64x8192xi32>
    %add3A_20 = arith.constant 32768 : i32
    %add3A_21 = vector.broadcast %add3A_20 : i32 to vector<64x8192xi32>
    %add3A_22 = arith.addi %slice3A_13, %add3A_21 : vector<64x8192xi32>
    %shift_right_logical3A_23 = arith.constant 16 : i32
    %shift_right_logical3A_24 = vector.broadcast %shift_right_logical3A_23 : i32 to vector<64x8192xi32>
    %shift_right_logical3A_25 = arith.shrui %add3A_22, %shift_right_logical3A_24 : vector<64x8192xi32>
    %or3A_26 = arith.ori %and3A_19, %shift_right_logical3A_25 : vector<64x8192xi32>
    %concatenate3A = tpu.concatenate %or3A, %or3A_26 in 0 : vector<64x8192xi32>, vector<64x8192xi32> -> vector<128x8192xi32>
    %bitcast_convert_type3A_27 = tpu.bitcast %concatenate3A : vector<128x8192xi32> -> vector<128x8192xf32>
    %transpose3A = tpu.transpose %bitcast_convert_type3A_27, [1, 0] : vector<128x8192xf32> -> vector<8192x128xf32>
    %swap3A = arith.constant 0 : index
    %swap3A_28 = arith.constant 0 : index
    %swap3A_29 = vector.load %arg2[%swap3A, %swap3A_28] : memref<8192x128xf32, #tpu.memory_space<vmem>>, vector<8192x128xf32>
    tpu.vector_store %arg2[%swap3A, %swap3A_28], %transpose3A {strides = array<i32>} : memref<8192x128xf32, #tpu.memory_space<vmem>>, vector<8192x128xf32>,
    return
  }
  func.func @transform_0(%arg0: i32) -> (i32, i32) {
    %c0_i32 = arith.constant 0 : i32
    %c0_i32_0 = arith.constant 0 : i32
    return %c0_i32, %arg0 : i32, i32
  }
  func.func @transform_1(%arg0: i32) -> (i32, i32) {
    %c0_i32 = arith.constant 0 : i32
    %c0_i32_0 = arith.constant 0 : i32
    return %arg0, %c0_i32 : i32, i32
  }
}

module attributes {stable_mosaic.version = 14 : i64} {
  func.func @_score_body(%arg0: i32, %arg1: memref<1x512x128xf32, #tpu.memory_space<vmem>>, %arg2: memref<1x512x128xf32, #tpu.memory_space<vmem>>, %arg3: memref<1x1x512xi32, #tpu.memory_space<vmem>>, %arg4: memref<1x1x512xi32, #tpu.memory_space<vmem>>, %arg5: memref<1x1x512xi32, #tpu.memory_space<vmem>>, %arg6: memref<16x64xf32, #tpu.memory_space<vmem>>, %arg7: memref<1x1x512xf32, #tpu.memory_space<vmem>>, %arg8: memref<1x512x512xf32, #tpu.memory_space<vmem>>, %arg9: memref<1x512x512xf32, #tpu.memory_space<vmem>>) attributes {dimension_semantics = [#tpu.dimension_semantics<parallel>], iteration_bounds = array<i64: 32>, scalar_prefetch = 0 : i64, scratch_operands = 0 : i64, tpu.core_type = #tpu.core_type<tc>, window_params = [{transform_indices = @transform_0, window_bounds = array<i64: 1, 512, 128>}, {transform_indices = @transform_1, window_bounds = array<i64: 1, 512, 128>}, {transform_indices = @transform_2, window_bounds = array<i64: 1, 1, 512>}, {transform_indices = @transform_3, window_bounds = array<i64: 1, 1, 512>}, {transform_indices = @transform_4, window_bounds = array<i64: 1, 1, 512>}, {pipeline_mode = #tpu.pipeline_mode<synchronous>, transform_indices = @transform_5, window_bounds = array<i64: 16, 64>}, {transform_indices = @transform_6, window_bounds = array<i64: 1, 1, 512>}, {transform_indices = @transform_7, window_bounds = array<i64: 1, 512, 512>}, {transform_indices = @transform_8, window_bounds = array<i64: 1, 512, 512>}]} {
    %get3A = arith.constant 0 : index
    %get3A_0 = arith.constant 0 : index
    %get3A_1 = arith.constant 0 : index
    %get3A_2 = vector.load %arg1[%get3A, %get3A_0, %get3A_1] : memref<1x512x128xf32, #tpu.memory_space<vmem>>, vector<1x512x128xf32>
    %get3A_3 = vector.shape_cast %get3A_2 : vector<1x512x128xf32> to vector<512x128xf32>
    %get3A_4 = arith.constant 0 : index
    %get3A_5 = arith.constant 0 : index
    %get3A_6 = arith.constant 0 : index
    %get3A_7 = vector.load %arg3[%get3A_4, %get3A_5, %get3A_6] : memref<1x1x512xi32, #tpu.memory_space<vmem>>, vector<1x1x512xi32>
    %get3A_8 = vector.shape_cast %get3A_7 : vector<1x1x512xi32> to vector<512xi32>
    %shift_right_arithmetic3A = arith.constant 14 : i32
    %shift_right_arithmetic3A_9 = vector.broadcast %shift_right_arithmetic3A : i32 to vector<512xi32>
    %shift_right_arithmetic3A_10 = arith.shrsi %get3A_8, %shift_right_arithmetic3A_9 : vector<512xi32>
    %and3A = arith.constant 1 : i32
    %and3A_11 = vector.broadcast %and3A : i32 to vector<512xi32>
    %and3A_12 = arith.andi %shift_right_arithmetic3A_10, %and3A_11 : vector<512xi32>
    %broadcast_in_dim3A = vector.shape_cast %and3A_12 : vector<512xi32> to vector<512x1xi32>
    %eq3A = arith.constant 1 : i32
    %eq3A_13 = vector.broadcast %eq3A : i32 to vector<512x1xi32>
    %eq3A_14 = arith.cmpi eq, %broadcast_in_dim3A, %eq3A_13 : vector<512x1xi32>
    %shift_right_arithmetic3A_15 = arith.constant 13 : i32
    %shift_right_arithmetic3A_16 = vector.broadcast %shift_right_arithmetic3A_15 : i32 to vector<512xi32>
    %shift_right_arithmetic3A_17 = arith.shrsi %get3A_8, %shift_right_arithmetic3A_16 : vector<512xi32>
    %and3A_18 = arith.constant 1 : i32
    %and3A_19 = vector.broadcast %and3A_18 : i32 to vector<512xi32>
    %and3A_20 = arith.andi %shift_right_arithmetic3A_17, %and3A_19 : vector<512xi32>
    %broadcast_in_dim3A_21 = vector.shape_cast %and3A_20 : vector<512xi32> to vector<512x1xi32>
    %eq3A_22 = arith.constant 1 : i32
    %eq3A_23 = vector.broadcast %eq3A_22 : i32 to vector<512x1xi32>
    %eq3A_24 = arith.cmpi eq, %broadcast_in_dim3A_21, %eq3A_23 : vector<512x1xi32>
    %slice3A = vector.extract_strided_slice %get3A_3 {offsets = [0, 64], sizes = [512, 64], strides = [1, 1]} : vector<512x128xf32> to vector<512x64xf32>
    %slice3A_25 = vector.extract_strided_slice %get3A_3 {offsets = [0, 0], sizes = [512, 64], strides = [1, 1]} : vector<512x128xf32> to vector<512x64xf32>
    %broadcast_in_dim3A_26 = vector.shape_cast %eq3A_14 : vector<512x1xi1> to vector<512x1xi1>
    %broadcast_in_dim3A_27 = vector.broadcast %broadcast_in_dim3A_26 : vector<512x1xi1> to vector<512x64xi1>
    %select_n3A = arith.select %broadcast_in_dim3A_27, %slice3A, %slice3A_25 : vector<512x64xi1>, vector<512x64xf32>
    %bitcast_convert_type3A = tpu.bitcast %select_n3A : vector<512x64xf32> -> vector<512x64xi32>
    %and3A_28 = arith.constant -65536 : i32
    %and3A_29 = vector.broadcast %and3A_28 : i32 to vector<512x64xi32>
    %and3A_30 = arith.andi %bitcast_convert_type3A, %and3A_29 : vector<512x64xi32>
    %bitcast_convert_type3A_31 = tpu.bitcast %and3A_30 : vector<512x64xi32> -> vector<512x64xf32>
    %shift_left3A = arith.constant 16 : i32
    %shift_left3A_32 = vector.broadcast %shift_left3A : i32 to vector<512x64xi32>
    %shift_left3A_33 = arith.shli %bitcast_convert_type3A, %shift_left3A_32 : vector<512x64xi32>
    %bitcast_convert_type3A_34 = tpu.bitcast %shift_left3A_33 : vector<512x64xi32> -> vector<512x64xf32>
    %broadcast_in_dim3A_35 = vector.shape_cast %eq3A_24 : vector<512x1xi1> to vector<512x1xi1>
    %broadcast_in_dim3A_36 = vector.broadcast %broadcast_in_dim3A_35 : vector<512x1xi1> to vector<512x64xi1>
    %select_n3A_37 = arith.select %broadcast_in_dim3A_36, %bitcast_convert_type3A_34, %bitcast_convert_type3A_31 : vector<512x64xi1>, vector<512x64xf32>
    %get3A_38 = arith.constant 0 : index
    %get3A_39 = arith.constant 0 : index
    %get3A_40 = arith.constant 0 : index
    %get3A_41 = vector.load %arg2[%get3A_38, %get3A_39, %get3A_40] : memref<1x512x128xf32, #tpu.memory_space<vmem>>, vector<1x512x128xf32>
    %get3A_42 = vector.shape_cast %get3A_41 : vector<1x512x128xf32> to vector<512x128xf32>
    %get3A_43 = arith.constant 0 : index
    %get3A_44 = arith.constant 0 : index
    %get3A_45 = arith.constant 0 : index
    %get3A_46 = vector.load %arg4[%get3A_43, %get3A_44, %get3A_45] : memref<1x1x512xi32, #tpu.memory_space<vmem>>, vector<1x1x512xi32>
    %get3A_47 = vector.shape_cast %get3A_46 : vector<1x1x512xi32> to vector<512xi32>
    %shift_right_arithmetic3A_48 = arith.constant 14 : i32
    %shift_right_arithmetic3A_49 = vector.broadcast %shift_right_arithmetic3A_48 : i32 to vector<512xi32>
    %shift_right_arithmetic3A_50 = arith.shrsi %get3A_47, %shift_right_arithmetic3A_49 : vector<512xi32>
    %and3A_51 = arith.constant 1 : i32
    %and3A_52 = vector.broadcast %and3A_51 : i32 to vector<512xi32>
    %and3A_53 = arith.andi %shift_right_arithmetic3A_50, %and3A_52 : vector<512xi32>
    %broadcast_in_dim3A_54 = vector.shape_cast %and3A_53 : vector<512xi32> to vector<512x1xi32>
    %eq3A_55 = arith.constant 1 : i32
    %eq3A_56 = vector.broadcast %eq3A_55 : i32 to vector<512x1xi32>
    %eq3A_57 = arith.cmpi eq, %broadcast_in_dim3A_54, %eq3A_56 : vector<512x1xi32>
    %shift_right_arithmetic3A_58 = arith.constant 13 : i32
    %shift_right_arithmetic3A_59 = vector.broadcast %shift_right_arithmetic3A_58 : i32 to vector<512xi32>
    %shift_right_arithmetic3A_60 = arith.shrsi %get3A_47, %shift_right_arithmetic3A_59 : vector<512xi32>
    %and3A_61 = arith.constant 1 : i32
    %and3A_62 = vector.broadcast %and3A_61 : i32 to vector<512xi32>
    %and3A_63 = arith.andi %shift_right_arithmetic3A_60, %and3A_62 : vector<512xi32>
    %broadcast_in_dim3A_64 = vector.shape_cast %and3A_63 : vector<512xi32> to vector<512x1xi32>
    %eq3A_65 = arith.constant 1 : i32
    %eq3A_66 = vector.broadcast %eq3A_65 : i32 to vector<512x1xi32>
    %eq3A_67 = arith.cmpi eq, %broadcast_in_dim3A_64, %eq3A_66 : vector<512x1xi32>
    %slice3A_68 = vector.extract_strided_slice %get3A_42 {offsets = [0, 64], sizes = [512, 64], strides = [1, 1]} : vector<512x128xf32> to vector<512x64xf32>
    %slice3A_69 = vector.extract_strided_slice %get3A_42 {offsets = [0, 0], sizes = [512, 64], strides = [1, 1]} : vector<512x128xf32> to vector<512x64xf32>
    %broadcast_in_dim3A_70 = vector.shape_cast %eq3A_57 : vector<512x1xi1> to vector<512x1xi1>
    %broadcast_in_dim3A_71 = vector.broadcast %broadcast_in_dim3A_70 : vector<512x1xi1> to vector<512x64xi1>
    %select_n3A_72 = arith.select %broadcast_in_dim3A_71, %slice3A_68, %slice3A_69 : vector<512x64xi1>, vector<512x64xf32>
    %bitcast_convert_type3A_73 = tpu.bitcast %select_n3A_72 : vector<512x64xf32> -> vector<512x64xi32>
    %and3A_74 = arith.constant -65536 : i32
    %and3A_75 = vector.broadcast %and3A_74 : i32 to vector<512x64xi32>
    %and3A_76 = arith.andi %bitcast_convert_type3A_73, %and3A_75 : vector<512x64xi32>
    %bitcast_convert_type3A_77 = tpu.bitcast %and3A_76 : vector<512x64xi32> -> vector<512x64xf32>
    %shift_left3A_78 = arith.constant 16 : i32
    %shift_left3A_79 = vector.broadcast %shift_left3A_78 : i32 to vector<512x64xi32>
    %shift_left3A_80 = arith.shli %bitcast_convert_type3A_73, %shift_left3A_79 : vector<512x64xi32>
    %bitcast_convert_type3A_81 = tpu.bitcast %shift_left3A_80 : vector<512x64xi32> -> vector<512x64xf32>
    %broadcast_in_dim3A_82 = vector.shape_cast %eq3A_67 : vector<512x1xi1> to vector<512x1xi1>
    %broadcast_in_dim3A_83 = vector.broadcast %broadcast_in_dim3A_82 : vector<512x1xi1> to vector<512x64xi1>
    %select_n3A_84 = arith.select %broadcast_in_dim3A_83, %bitcast_convert_type3A_81, %bitcast_convert_type3A_77 : vector<512x64xi1>, vector<512x64xf32>
    %get3A_85 = arith.constant 0 : index
    %get3A_86 = arith.constant 0 : index
    %get3A_87 = arith.constant 0 : index
    %get3A_88 = vector.load %arg5[%get3A_85, %get3A_86, %get3A_87] : memref<1x1x512xi32, #tpu.memory_space<vmem>>, vector<1x1x512xi32>
    %get3A_89 = vector.shape_cast %get3A_88 : vector<1x1x512xi32> to vector<512xi32>
    %broadcast_in_dim3A_90 = vector.shape_cast %get3A_89 : vector<512xi32> to vector<512x1xi32>
    %iota3A = tpu.iota {dimensions = array<i32: 1>} : vector<512x16xi32>
    %eq3A_91 = vector.broadcast %broadcast_in_dim3A_90 : vector<512x1xi32> to vector<512x16xi32>
    %eq3A_92 = arith.cmpi eq, %eq3A_91, %iota3A : vector<512x16xi32>
    %convert_element_type3A = arith.extui %eq3A_92 : vector<512x16xi1> to vector<512x16xi32>
    %convert_element_type3A_93 = arith.sitofp %convert_element_type3A : vector<512x16xi32> to vector<512x16xf32>
    %get3A_94 = arith.constant 0 : index
    %get3A_95 = arith.constant 0 : index
    %get3A_96 = vector.load %arg6[%get3A_94, %get3A_95] : memref<16x64xf32, #tpu.memory_space<vmem>>, vector<16x64xf32>
    %dot_general3A = arith.constant dense<0.000000e+00> : vector<512x64xf32>
    %dot_general3A_97 = tpu.matmul %convert_element_type3A_93, %get3A_96, %dot_general3A {dimension_numbers = #tpu.dot_dimension_numbers<[1], [0], [0], [1], [0, 0, 1, 1], [], []>, transpose_lhs_hint = false} : vector<512x16xf32>, vector<16x64xf32>, vector<512x64xf32> -> vector<512x64xf32>
    %mul3A = arith.mulf %select_n3A_84, %dot_general3A_97 : vector<512x64xf32>
    %mul3A_98 = arith.mulf %select_n3A_37, %mul3A : vector<512x64xf32>
    %reduce_sum3A = arith.constant dense<0.000000e+00> : vector<512xf32>
    %reduce_sum3A_99 = vector.multi_reduction <add>, %mul3A_98, %reduce_sum3A [1] : vector<512x64xf32> to vector<512xf32>
    %broadcast_in_dim3A_100 = vector.shape_cast %reduce_sum3A_99 : vector<512xf32> to vector<1x512xf32>
    %swap3A = arith.constant 0 : index
    %swap3A_101 = arith.constant 0 : index
    %swap3A_102 = arith.constant 0 : index
    %swap3A_103 = vector.load %arg7[%swap3A, %swap3A_101, %swap3A_102] : memref<1x1x512xf32, #tpu.memory_space<vmem>>, vector<1x1x512xf32>
    %swap3A_104 = vector.shape_cast %swap3A_103 : vector<1x1x512xf32> to vector<1x512xf32>
    %swap3A_105 = vector.shape_cast %broadcast_in_dim3A_100 : vector<1x512xf32> to vector<1x1x512xf32>
    tpu.vector_store %arg7[%swap3A, %swap3A_101, %swap3A_102], %swap3A_105 {strides = array<i32>} : memref<1x1x512xf32, #tpu.memory_space<vmem>>, vector<1x1x512xf32>,
    %convert_element_type3A_106 = arith.truncf %select_n3A_37 : vector<512x64xf32> to vector<512x64xbf16>
    %convert_element_type3A_107 = arith.truncf %mul3A : vector<512x64xf32> to vector<512x64xbf16>
    %dot_general3A_108 = arith.constant dense<0.000000e+00> : vector<512x512xf32>
    %dot_general3A_109 = tpu.matmul %convert_element_type3A_107, %convert_element_type3A_106, %dot_general3A_108 {dimension_numbers = #tpu.dot_dimension_numbers<[1], [1], [0], [0], [0, 0, 1, 0], [], []>, transpose_lhs_hint = false} : vector<512x64xbf16>, vector<512x64xbf16>, vector<512x512xf32> -> vector<512x512xf32>
    %swap3A_110 = arith.constant 0 : index
    %swap3A_111 = arith.constant 0 : index
    %swap3A_112 = arith.constant 0 : index
    %swap3A_113 = vector.load %arg8[%swap3A_110, %swap3A_111, %swap3A_112] : memref<1x512x512xf32, #tpu.memory_space<vmem>>, vector<1x512x512xf32>
    %swap3A_114 = vector.shape_cast %swap3A_113 : vector<1x512x512xf32> to vector<512x512xf32>
    %swap3A_115 = vector.shape_cast %dot_general3A_109 : vector<512x512xf32> to vector<1x512x512xf32>
    tpu.vector_store %arg8[%swap3A_110, %swap3A_111, %swap3A_112], %swap3A_115 {strides = array<i32>} : memref<1x512x512xf32, #tpu.memory_space<vmem>>, vector<1x512x512xf32>,
    %dot_general3A_116 = arith.constant dense<0.000000e+00> : vector<512x512xf32>
    %dot_general3A_117 = tpu.matmul %convert_element_type3A_106, %convert_element_type3A_107, %dot_general3A_116 {dimension_numbers = #tpu.dot_dimension_numbers<[1], [1], [0], [0], [0, 0, 1, 0], [], []>, transpose_lhs_hint = false} : vector<512x64xbf16>, vector<512x64xbf16>, vector<512x512xf32> -> vector<512x512xf32>
    %swap3A_118 = arith.constant 0 : index
    %swap3A_119 = arith.constant 0 : index
    %swap3A_120 = arith.constant 0 : index
    %swap3A_121 = vector.load %arg9[%swap3A_118, %swap3A_119, %swap3A_120] : memref<1x512x512xf32, #tpu.memory_space<vmem>>, vector<1x512x512xf32>
    %swap3A_122 = vector.shape_cast %swap3A_121 : vector<1x512x512xf32> to vector<512x512xf32>
    %swap3A_123 = vector.shape_cast %dot_general3A_117 : vector<512x512xf32> to vector<1x512x512xf32>
    tpu.vector_store %arg9[%swap3A_118, %swap3A_119, %swap3A_120], %swap3A_123 {strides = array<i32>} : memref<1x512x512xf32, #tpu.memory_space<vmem>>, vector<1x512x512xf32>,
    return
  }
  func.func @transform_0(%arg0: i32) -> (i32, i32, i32) {
    %c0_i32 = arith.constant 0 : i32
    %c0_i32_0 = arith.constant 0 : i32
    %c0_i32_1 = arith.constant 0 : i32
    return %arg0, %c0_i32, %c0_i32_0 : i32, i32, i32
  }
  func.func @transform_1(%arg0: i32) -> (i32, i32, i32) {
    %add3A = arith.constant 32 : i32
    %add3A_0 = arith.addi %add3A, %arg0 : i32
    %c0_i32 = arith.constant 0 : i32
    %c0_i32_1 = arith.constant 0 : i32
    %c0_i32_2 = arith.constant 0 : i32
    return %add3A_0, %c0_i32, %c0_i32_1 : i32, i32, i32
  }
  func.func @transform_2(%arg0: i32) -> (i32, i32, i32) {
    %c0_i32 = arith.constant 0 : i32
    %c0_i32_0 = arith.constant 0 : i32
    %c0_i32_1 = arith.constant 0 : i32
    return %arg0, %c0_i32, %c0_i32_0 : i32, i32, i32
  }
  func.func @transform_3(%arg0: i32) -> (i32, i32, i32) {
    %add3A = arith.constant 32 : i32
    %add3A_0 = arith.addi %add3A, %arg0 : i32
    %c0_i32 = arith.constant 0 : i32
    %c0_i32_1 = arith.constant 0 : i32
    %c0_i32_2 = arith.constant 0 : i32
    return %add3A_0, %c0_i32, %c0_i32_1 : i32, i32, i32
  }
  func.func @transform_4(%arg0: i32) -> (i32, i32, i32) {
    %c0_i32 = arith.constant 0 : i32
    %c0_i32_0 = arith.constant 0 : i32
    %c0_i32_1 = arith.constant 0 : i32
    return %arg0, %c0_i32, %c0_i32_0 : i32, i32, i32
  }
  func.func @transform_5(%arg0: i32) -> (i32, i32) {
    %c0_i32 = arith.constant 0 : i32
    %c0_i32_0 = arith.constant 0 : i32
    %c0_i32_1 = arith.constant 0 : i32
    return %c0_i32, %c0_i32_0 : i32, i32
  }
  func.func @transform_6(%arg0: i32) -> (i32, i32, i32) {
    %c0_i32 = arith.constant 0 : i32
    %c0_i32_0 = arith.constant 0 : i32
    %c0_i32_1 = arith.constant 0 : i32
    return %arg0, %c0_i32, %c0_i32_0 : i32, i32, i32
  }
  func.func @transform_7(%arg0: i32) -> (i32, i32, i32) {
    %c0_i32 = arith.constant 0 : i32
    %c0_i32_0 = arith.constant 0 : i32
    %c0_i32_1 = arith.constant 0 : i32
    return %arg0, %c0_i32, %c0_i32_0 : i32, i32, i32
  }
  func.func @transform_8(%arg0: i32) -> (i32, i32, i32) {
    %c0_i32 = arith.constant 0 : i32
    %c0_i32_0 = arith.constant 0 : i32
    %c0_i32_1 = arith.constant 0 : i32
    return %arg0, %c0_i32, %c0_i32_0 : i32, i32, i32
  }
}

</mosaic_0001>

<sc_bundles>
// kernel: kernel.5.cloned.1.call-start
scs
__scs_entry_jumppad:
0x0: {  	(pc) =	sbr.rel $0x88, $3  }
0x1: {  	(tag) =	ssettag $0x0;
	lr =	simm.s32 $0x1  }
0x2: {  	[smem:$0x3F9C] =	sst lr;
	_ =	strace $0xD0000000  }
0x3: {  	_ = 	snop  }
0x4: {  	_ = 	snop  }
0x5: {  	_ = 	snop  }
0x6: {  	_ = 	snop  }
0x7: {  	_ = 	snop  }
__scs_overlays_trampoline_lowered:
0x8: {  	[smem:$0x3FAB] =	sst s0  }
0x9: {  	[smem:$0x3FAC] =	sst s1  }
0xa: {  	[smem:$0x3FAD] =	sst s2  }
0xb: {  	[smem:$0x3FAE] =	sst s3  }
0xc: {  	[smem:$0x3FAF] =	sst s4  }
0xd: {  	[smem:$0x3FB0] =	sst s5  }
0xe: {  	[smem:$0x3FB1] =	sst s6  }
0xf: {  	[smem:$0x3FB2] =	sst s7  }
0x10: {  	[smem:$0x3FB3] =	sst s8  }
0x11: {  	[smem:$0x3FB4] =	sst s9;
	s0 =	simm.s32 @!p0 $0x0  }
0x12: {  	s1 =	sld [smem:$0x3F9A];
	s0 =	simm.s32 @p0 $0x1  }
0x13: {  	[smem:$0x3FB5] =	sst s0;
	s0 =	simm.s32 @!p1 $0x0  }
0x14: {  	s2 =	sld [smem:$0x3F99];
	s0 =	simm.s32 @p1 $0x1  }
0x15: {  	[smem:$0x3FB6] =	sst s0;
	s0 =	simm.s32 @!p2 $0x0  }
0x16: {  	s3 =	sld [smem:$0x3FDB];
	s0 =	simm.s32 @p2 $0x1  }
0x17: {  	s4 =	simm.s32 $0x1BF5;
	[smem:$0x3FB8] =	sst s0  }
0x18: {  	s0 =	sld [smem:$0x3F9B];
	_ =	swait.ge [sflag:s4], $0x0  }
0x19: {  	s7 =	sld [smem:$0x3F9C]  }
0x1a: {  	s8 =	sadd.s32 $0xFFFFE003, lr  }
0x1b: {  	s9 =	sadd.s32 $0xFFFFFEF7, lr;
	s5 =	simm.s32 $0xFFFFFFFF;
	p2 =	slt.u32 s8, $0xFFFFF086  }
0x1c: {  	p1 =	slt.u32 s9, $0xF7A;
	s5 =	simm.s32 @!p2 $0x0  }
0x1d: {  	s5 =	simm.s32 @p1 $0x1;
	p0 =	seq.s32 s7, s2  }
0x1e: {  	s7 =	smul.u32 @!p0 $0xF7A, s2;
	p2 =	seq.s32 @!p0 s5, $0x0  }
0x1f: {  	s9 =	smul.u32 $0xF7A, s1;
	s8 =	simm.s32 @!p0 $0x1BF5;
	p2 =	por !p2, p0  }
0x20: {  	[sflag:s8] =	ssyncset.s32 @!p0 $0xFFFFF086;
	s6 =	sadd.s32 @!p0 s3, s7;
	s7 =	simm.s32 @!p0 $0x108  }
0x21: {  	s3 =	sadd.s32 s3, s9;
	s6 =	sadd.s32 @!p0 $0x88, s6;
	s7 =	simm.s32 @p2 $0x1082  }
0x22: {  	[simem:s7], [sflag:s8] =	dma.local @!p0 [hbm:s6], $0xF7A  }
0x23: {  	s9 =	sor.u32 $0xD0000000, s2;
	s6 =	simm.s32 $0x108;
	_ =	swait.ge @!p0 [sflag:s8], $0x0  }
0x24: {  	s3 =	sadd.s32 $0x88, s3;
	s6 =	simm.s32 @!p1 $0x1082;
	[sflag:s4] =	ssyncset.s32 $0xFFFFF086  }
0x25: {  	[simem:s6], [sflag:s4] =	dma.local [hbm:s3], $0xF7A  }
0x26: {  	[smem:$0x3F9C] =	sst s1;
	(tag) =	ssettag s2;
	_ =	strace s9  }
0x27: {  	s1 =	sld [smem:$0x3FAC]  }
0x28: {  	s2 =	sld [smem:$0x3FAD]  }
0x29: {  	s4 =	sld [smem:$0x3FAF]  }
0x2a: {  	p0 =	seq.s32 s5, $0x0;
	s5 =	sld [smem:$0x3FB0]  }
0x2b: {  	s6 =	sld [smem:$0x3FB1]  }
0x2c: {  	s7 =	sld [smem:$0x3FB2]  }
0x2d: {  	s3 =	simm.s32 $0x108;
	s8 =	sld [smem:$0x3FB3]  }
0x2e: {  	s3 =	simm.s32 @!p0 $0x1082;
	s9 =	sld [smem:$0x3FB4]  }
0x2f: {  	lr =	sadd.s32 s0, s3;
	s0 =	sld [smem:$0x3FAB]  }
0x30: {  	s3 =	sld [smem:$0x3FAE]  }
0x31: {  	[smem:$0x3FB7] =	sst s10  }
0x32: {  	s10 =	sld [smem:$0x3FB5];
	_ =	sdelay $0x3  }
0x33: {  	p0 =	seq.s32 s10, $0x1;
	s10 =	sld [smem:$0x3FB7];
	_ =	sdelay $0x3  }
0x34: {  	[smem:$0x3FB7] =	sst s10  }
0x35: {  	s10 =	sld [smem:$0x3FB6];
	_ =	sdelay $0x3  }
0x36: {  	p1 =	seq.s32 s10, $0x1;
	s10 =	sld [smem:$0x3FB7];
	_ =	sdelay $0x3  }
0x37: {  	[smem:$0x3FB7] =	sst s10  }
0x38: {  	s10 =	sld [smem:$0x3FB8]  }
0x39: {  	_ = 	snop;
	(pc) =	sbr.ind lr, $3  }
0x3a: {  	_ = 	snop  }
0x3b: {  	_ = 	snop  }
0x3c: {  	p2 =	seq.s32 s10, $0x1;
	s10 =	sld [smem:$0x3FB7]  }
0x3d: {  	_ =	shalt  }
0x3e: {  	_ =	shalt  }
0x3f: {  	_ =	shalt  }
0x40: {  	_ =	shalt  }
0x41: {  	_ =	shalt  }
0x42: {  	_ =	shalt  }
0x43: {  	_ =	shalt  }
0x44: {  	_ =	shalt  }
0x45: {  	_ =	shalt  }
0x46: {  	_ =	shalt  }
0x47: {  	_ =	shalt  }
0x48: {  	_ =	shalt  }
0x49: {  	_ =	shalt  }
0x4a: {  	_ =	shalt  }
0x4b: {  	_ =	shalt  }
0x4c: {  	_ =	shalt  }
0x4d: {  	_ =	shalt  }
0x4e: {  	_ =	shalt  }
0x4f: {  	_ =	shalt  }
0x50: {  	_ =	shalt  }
0x51: {  	_ =	shalt  }
0x52: {  	_ =	shalt  }
0x53: {  	_ =	shalt  }
0x54: {  	_ =	shalt  }
0x55: {  	_ =	shalt  }
0x56: {  	_ =	shalt  }
0x57: {  	_ =	shalt  }
0x58: {  	_ =	shalt  }
0x59: {  	_ =	shalt  }
0x5a: {  	_ =	shalt  }
0x5b: {  	_ =	shalt  }
0x5c: {  	_ =	shalt  }
0x5d: {  	_ =	shalt  }
0x5e: {  	_ =	shalt  }
0x5f: {  	_ =	shalt  }
0x60: {  	_ =	shalt  }
0x61: {  	_ =	shalt  }
0x62: {  	_ =	shalt  }
0x63: {  	_ =	shalt  }
0x64: {  	_ =	shalt  }
0x65: {  	_ =	shalt  }
0x66: {  	_ =	shalt  }
0x67: {  	_ =	shalt  }
0x68: {  	_ =	shalt  }
0x69: {  	_ =	shalt  }
0x6a: {  	_ =	shalt  }
0x6b: {  	_ =	shalt  }
0x6c: {  	_ =	shalt  }
0x6d: {  	_ =	shalt  }
0x6e: {  	_ =	shalt  }
0x6f: {  	_ =	shalt  }
0x70: {  	_ =	shalt  }
0x71: {  	_ =	shalt  }
0x72: {  	_ =	shalt  }
0x73: {  	_ =	shalt  }
0x74: {  	_ =	shalt  }
0x75: {  	_ =	shalt  }
0x76: {  	_ =	shalt  }
0x77: {  	_ =	shalt  }
0x78: {  	_ =	shalt  }
0x79: {  	_ =	shalt  }
0x7a: {  	_ =	shalt  }
0x7b: {  	_ =	shalt  }
0x7c: {  	_ =	shalt  }
0x7d: {  	_ =	shalt  }
0x7e: {  	_ =	shalt  }
0x7f: {  	_ =	shalt  }
0x80: {  	_ =	shalt  }
0x81: {  	_ =	shalt  }
0x82: {  	_ =	shalt  }
0x83: {  	_ =	shalt  }
0x84: {  	_ =	shalt  }
0x85: {  	_ =	shalt  }
0x86: {  	_ =	shalt  }
0x87: {  	_ =	shalt  }
.Lfunc_end0:
.L_simem_size_0:
called_computation_lowered:
.L_overlay_start_0:
0x88: {  	s2 =	sld [smem:$0x3FD9]  }
0x89: {  	s3 =	sld [smem:$0x3FFE];
	_ =	sdelay $0x1  }
0x8a: {  	s1 =	srdreg.scid  }
0x8b: {  	s0 =	sand.u32 $0x1, s1  }
0x8c: {  	s14 =	sshll.u32 s0, $0xA;
	s2 =	sadd.s32 s3, s2  }
0x8d: {  	s2 =	sadd.s32 s2, s14  }
0x8e: {  	[smem:$0x3FC3] =	sst s2  }
0x8f: {  	_ = 	snop  }
0x90: {  	s2 =	sld [smem:$0x3FD0];
	_ =	sdelay $0x2  }
0x91: {  	s15 =	simm.s32 $0xA;
	s4 =	simm.s32 $0x10  }
0x92: {  	[smem:s4], [sflag:s15] =	dma.local [hbm:s2], $0x1  }
0x93: {  	_ =	swait.eq [sflag:s15], $0x1  }
0x94: {  	[sflag:s15] =	ssyncset.done $0x0  }
0x95: {  	s16 =	sld [smem:$0x11];
	[sflag:s15] =	ssyncadd.s32 $0xFFFFFFFF  }
0x96: {  	s17 =	sld [smem:$0x12];
	(tm) =	ssettm $0x1  }
0x97: {  	s18 =	sld [smem:$0x3FFB];
	_ =	sdelay $0x3  }
0x98: {  	_ =	strace s18  }
0x99: {  	s4 =	sld [smem:$0x3FFC];
	_ =	sdelay $0x3  }
0x9a: {  	_ =	strace s4  }
0x9b: {  	s4 =	sld [smem:$0x3FFD];
	_ =	sdelay $0x3  }
0x9c: {  	_ =	strace s4  }
0x9d: {  	_ =	strace $0x8FFFFFFF  }
0x9e: {  	s19 =	sld [smem:$0x3FDB];
	_ =	sdelay $0x1  }
0x9f: {  	s5 =	simm.s32 $_scs_section_size  }
0xa0: {  	s6 =	simm.s32 $_size__tile_overlayer_lowered;
	s7 =	simm.s32 $_tile_overlayer_lowered  }
0xa1: {  	s22 =	simm.s32 $0x1BFF;
	s21 =	sshll.u32 s7, $0x1;
	s4 =	sadd.s32 s5, s19  }
0xa2: {  	s8 =	simm.s32 $0x0;
	s20 =	sshll.u32 s6, $0x1;
	s6 =	sadd.s32 s21, s4  }
0xa3: {  	[timem:s8], [sflag:s22] =	dma.local [hbm:s6], s20  }
0xa4: {  	_ =	swait.ge [sflag:s22], s20  }
0xa5: {  	s5 =	ssub.s32 $0x0, s20;
	[sflag:s22] =	ssyncset.done $0x0  }
0xa6: {  	[sflag:s22] =	ssyncadd.s32 s5;
	_ =	sdelay $0x1  }
0xa7: {  	s23 =	simm.s32 $0x1B8B  }
0xa8: {  	_ =	swait.ge [sflag:s23], $0x1  }
0xa9: {  	[sflag:s23] =	ssyncset.done $0x0  }
0xaa: {  	s25 =	simm.s32 $0x1B8E;
	s24 =	sld [smem:$0x3FFE];
	[sflag:s23] =	ssyncadd.s32 $0xFFFFFFFF  }
0xab: {  	s26 =	simm.s32 $execute0_lowered;
	[smem:$0x3FD2] =	sst s25  }
0xac: {  	s6 =	sshll.u32 s26, $0x1;
	_ =	strace $0x80000046;
	[dreg:$0x1] =	wrdreg $0xFFFFFFFF  }
0xad: {  	s28 =	simm.s32 $_size_execute0_lowered;
	s4 =	sadd.s32 s4, s6;
	[dreg:$0x0] =	wrdreg $0x0  }
0xae: {  	s6 =	sshll.u32 s28, $0x1;
	[dreg:$0x2] =	wrdreg s4  }
0xaf: {  	[dreg:$0x3] =	wrdreg s6  }
0xb0: {  	[dreg:$0x4] =	wrdreg $0xC0  }
0xb1: {  	_ =	task [dreg:s8], $0x5FFFF  }
0xb2: {  	[dreg:$0x1] =	wrdreg $0xFFFFFFFF  }
0xb3: {  	[dreg:$0x0] =	wrdreg $0x60  }
0xb4: {  	[dreg:$0x2] =	wrdreg s24  }
0xb5: {  	[dreg:$0x3] =	wrdreg s16  }
0xb6: {  	[dreg:$0x4] =	wrdreg s17  }
0xb7: {  	[dreg:$0x5] =	wrdreg $0x9  }
0xb8: {  	_ =	task.clear_ibuf [dreg:s8], $0x6FFFF;
	_ =	strace $0x90000046  }
0xb9: {  	s29 =	simm.s32 $0x9;
	_ =	strace $0x80000048  }
0xba: {  	_ =	swait.ge [sflag:s29], $0x1  }
0xbb: {  	[sflag:s29] =	ssyncadd.s32 $0xFFFFFFFF  }
0xbc: {  	_ =	strace $0x90000048  }
0xbd: {  	_ =	sfence  }
0xbe: {  	s30 =	sld [smem:$0x0];
	_ =	sdelay $0x2  }
0xbf: {  	s31 =	sshll.u32 s1, $0xD;
	s1 =	sshrl.u32 s1, $0x2  }
0xc0: {  	s3 =	sand.u32 $0x4000, s31;
	s1 =	sadd.s32 s1, s30  }
0xc1: {  	s0 =	sor.u32 s3, s0;
	s1 =	sshll.u32 s1, $0x11  }
0xc2: {  	s0 =	sor.u32 s1, s0  }
0xc3: {  	s0 =	sadd.s32 $0x8F2B, s0  }
0xc4: {  	[sflag:s0] =	ssyncadd.remote.s32 $0x1  }
0xc5: {  	_ =	sfence.sel $0xFFFF  }
0xc6: {  	[dreg:$0x0] =	wrdreg $0xFFFFFFFF;
	(pc) =	sbr.abs _section_cstart, $3  }
0xc7: {  	[dreg:$0x1] =	wrdreg $0xFFFFFFFF  }
0xc8: {  	_ =	task.clear_ibuf [dreg:s8], $0x2FFFF;
	_ =	strace $0x9FFFFFFF  }
0xc9: {  	(tm) =	ssettm $0x7FFFFFFF  }
tec
execute0_lowered:
.L_overlay_start_1:
0x0: {  	(tag) =	ssettag $0x1  }
0x1: {  	s5 =	rddreg [dreg:$0x0];
	s1 =	srdreg.scid  }
0x2: {  	s3 =	rddreg [dreg:$0x1];
	s0 =	stileid.u32;
	s19 =	sand.u32 $0x1, s1  }
0x3: {  	s14 =	rddreg [dreg:$0x2];
	s4 =	sshll.u32 s0, $0xB;
	s6 =	sshll.u32 s19, $0xA  }
0x4: {  	s2 =	simm.s32 $0x0;
	s1 =	rddreg [dreg:$0x3];
	s15 =	sor.u32 s6, s4  }
0x5: {  	[smem:$0x7FF] =	sst s2;
	s4 =	sshrl.u32 s15, $0x3  }
0x6: {  	_ =	strace $0x80000047;
	s4 =	sadd.s32 s3, s4;
	s3 =	simm.s32 $0x2  }
0x7: {  	[tilespmem:s2], [sflag:$0x2] =	stream.linear.gather [hbm4b:s4+s2], $0x400, $0x38;
	[tilespmem:$0x10400] =	vst v63  }
0x8: {  	_ =	swait.ge [sflag:s3], $0x400  }
0x9: {  	s7 =	simm.s32 $0x400;
	[sflag:s3] =	ssyncset.done $0x0  }
0xa: {  	s5 =	sadd.s32 $0x1000, s5;
	s6 =	simm.s32 $0x80;
	[sflag:s3] =	ssyncadd.s32 $0xFFFFFC00  }
0xb: {  	[tilespmem:s7], [sflag:$0x1] =	stream.indirect.gather [hbm4b:s5+s6], $0x80, s2, s6, $0xb8;
	[tilespmem:$0x10400] =	vst v63  }
0xc: {  	s8 =	simm.s32 $0x4400  }
0xd: {  	[tilespmem:s8], [sflag:$0x1] =	stream.indirect.gather [hbm4b:s5+s6], $0x80, s6, s6, $0xb8;
	[tilespmem:$0x10400] =	vst v63  }
0xe: {  	s9 =	simm.s32 $0x100;
	s10 =	simm.s32 $0x8400  }
0xf: {  	[tilespmem:s10], [sflag:$0x1] =	stream.indirect.gather [hbm4b:s5+s6], $0x80, s9, s6, $0xb8;
	[tilespmem:$0x10400] =	vst v63  }
0x10: {  	s11 =	simm.s32 $0x180;
	s12 =	simm.s32 $0xC400;
	s13 =	simm.s32 $0x1  }
0x11: {  	[tilespmem:s12], [sflag:$0x1] =	stream.indirect.gather [hbm4b:s5+s6], $0x80, s11, s6, $0xb8;
	[tilespmem:$0x10400] =	vst v63  }
0x12: {  	_ =	swait.ge [sflag:s13], $0x4000  }
0x13: {  	[sflag:s13] =	ssyncset.done $0x0  }
0x14: {  	[sflag:s13] =	ssyncadd.s32 $0xFFFFC000  }
0x15: {  	_ =	swait.ge [sflag:s13], $0x4000  }
0x16: {  	[sflag:s13] =	ssyncset.done $0x0  }
0x17: {  	[sflag:s13] =	ssyncadd.s32 $0xFFFFC000  }
0x18: {  	_ =	swait.ge [sflag:s13], $0x4000  }
0x19: {  	[sflag:s13] =	ssyncset.done $0x0  }
0x1a: {  	[sflag:s13] =	ssyncadd.s32 $0xFFFFC000  }
0x1b: {  	_ =	swait.ge [sflag:s13], $0x4000  }
0x1c: {  	s15 =	sshll.u32 s15, $0x4;
	[sflag:s13] =	ssyncset.done $0x0  }
0x1d: {  	s14 =	sadd.s32 s14, s15;
	[sflag:s13] =	ssyncadd.s32 $0xFFFFC000  }
0x1e: {  	[hbm4b:s14+s2] =	stream.linear.scatter [tilespmem:s7], [sflag:$0x2], $0x10000, $0x38;
	[tilespmem:$0x10400] =	vst v63  }
0x1f: {  	_ =	swait.ge [sflag:s3], $0x10000  }
0x20: {  	[sflag:s3] =	ssyncset.done $0x0  }
0x21: {  	s15 =	simm.s32 $0x200;
	[sflag:s3] =	ssyncadd.s32 $0xFFFF0000  }
0x22: {  	[tilespmem:s7], [sflag:$0x1] =	stream.indirect.gather [hbm4b:s5+s6], $0x80, s15, s6, $0xb8;
	[tilespmem:$0x10400] =	vst v63  }
0x23: {  	s16 =	simm.s32 $0x280  }
0x24: {  	[tilespmem:s8], [sflag:$0x1] =	stream.indirect.gather [hbm4b:s5+s6], $0x80, s16, s6, $0xb8;
	[tilespmem:$0x10400] =	vst v63  }
0x25: {  	s17 =	simm.s32 $0x300  }
0x26: {  	[tilespmem:s10], [sflag:$0x1] =	stream.indirect.gather [hbm4b:s5+s6], $0x80, s17, s6, $0xb8;
	[tilespmem:$0x10400] =	vst v63  }
0x27: {  	s18 =	simm.s32 $0x380  }
0x28: {  	[tilespmem:s12], [sflag:$0x1] =	stream.indirect.gather [hbm4b:s5+s6], $0x80, s18, s6, $0xb8;
	[tilespmem:$0x10400] =	vst v63  }
0x29: {  	_ =	swait.ge [sflag:s13], $0x4000  }
0x2a: {  	[sflag:s13] =	ssyncset.done $0x0  }
0x2b: {  	[sflag:s13] =	ssyncadd.s32 $0xFFFFC000  }
0x2c: {  	_ =	swait.ge [sflag:s13], $0x4000  }
0x2d: {  	[sflag:s13] =	ssyncset.done $0x0  }
0x2e: {  	s19 =	ssub.s32 $0x2, s19;
	[sflag:s13] =	ssyncadd.s32 $0xFFFFC000  }
0x2f: {  	s20 =	sshrl.u32 s19, $0x1;
	_ =	swait.ge [sflag:s13], $0x4000  }
0x30: {  	s20 =	ssub.s32 s19, s20;
	[sflag:s13] =	ssyncset.done $0x0  }
0x31: {  	s20 =	smax.u32 s20, $0x1;
	[sflag:s13] =	ssyncadd.s32 $0xFFFFC000  }
0x32: {  	p0 =	sne.s32 s20, $0x1;
	_ =	swait.ge [sflag:s13], $0x4000  }
.Ltmp0:
0x33: {  	[sflag:s13] =	ssyncset.done $0x0;
	(pc) =	sbr.rel @!p0 .LBB2_2-.Ltmp0, $4  }
0x34: {  	s19 =	sadd.s32 $0x2000, s14;
	[sflag:s13] =	ssyncadd.s32 $0xFFFFC000  }
0x35: {  	[hbm4b:s19+s2] =	stream.linear.scatter [tilespmem:s7], [sflag:$0x2], $0x10000, $0x38;
	[tilespmem:$0x10400] =	vst v63  }
0x36: {  	_ =	swait.ge [sflag:s3], $0x10000  }
0x37: {  	s20 =	sadd.s32 $0xFFFFFFFF, s20;
	[sflag:s3] =	ssyncset.done $0x0  }
.LBB2_1:
0x38: {  	p0 =	sne.s32 s20, $0x1;
	s20 =	sadd.s32 $0xFFFFFFFF, s20;
	[sflag:s3] =	ssyncadd.s32 $0xFFFF0000  }
0x39: {  	[tilespmem:s2], [sflag:$0x2] =	stream.linear.gather [hbm4b:s4+s2], $0x400, $0x38;
	[tilespmem:$0x10400] =	vst v63  }
0x3a: {  	_ =	swait.ge [sflag:s3], $0x400  }
0x3b: {  	[sflag:s3] =	ssyncset.done $0x0  }
0x3c: {  	[sflag:s3] =	ssyncadd.s32 $0xFFFFFC00  }
0x3d: {  	[tilespmem:s7], [sflag:$0x1] =	stream.indirect.gather [hbm4b:s5+s6], $0x80, s2, s6, $0xb8;
	[tilespmem:$0x10400] =	vst v63  }
0x3e: {  	_ = 	snop  }
0x3f: {  	[tilespmem:s8], [sflag:$0x1] =	stream.indirect.gather [hbm4b:s5+s6], $0x80, s6, s6, $0xb8;
	[tilespmem:$0x10400] =	vst v63  }
0x40: {  	_ = 	snop  }
0x41: {  	[tilespmem:s10], [sflag:$0x1] =	stream.indirect.gather [hbm4b:s5+s6], $0x80, s9, s6, $0xb8;
	[tilespmem:$0x10400] =	vst v63  }
0x42: {  	_ = 	snop  }
0x43: {  	[tilespmem:s12], [sflag:$0x1] =	stream.indirect.gather [hbm4b:s5+s6], $0x80, s11, s6, $0xb8;
	[tilespmem:$0x10400] =	vst v63  }
0x44: {  	_ =	swait.ge [sflag:s13], $0x4000  }
0x45: {  	[sflag:s13] =	ssyncset.done $0x0  }
0x46: {  	[sflag:s13] =	ssyncadd.s32 $0xFFFFC000  }
0x47: {  	_ =	swait.ge [sflag:s13], $0x4000  }
0x48: {  	[sflag:s13] =	ssyncset.done $0x0  }
0x49: {  	[sflag:s13] =	ssyncadd.s32 $0xFFFFC000  }
0x4a: {  	_ =	swait.ge [sflag:s13], $0x4000  }
0x4b: {  	[sflag:s13] =	ssyncset.done $0x0  }
0x4c: {  	[sflag:s13] =	ssyncadd.s32 $0xFFFFC000  }
0x4d: {  	_ =	swait.ge [sflag:s13], $0x4000  }
0x4e: {  	[sflag:s13] =	ssyncset.done $0x0  }
0x4f: {  	[sflag:s13] =	ssyncadd.s32 $0xFFFFC000  }
0x50: {  	[hbm4b:s14+s2] =	stream.linear.scatter [tilespmem:s7], [sflag:$0x2], $0x10000, $0x38;
	[tilespmem:$0x10400] =	vst v63  }
0x51: {  	_ =	swait.ge [sflag:s3], $0x10000  }
0x52: {  	[sflag:s3] =	ssyncset.done $0x0  }
0x53: {  	[sflag:s3] =	ssyncadd.s32 $0xFFFF0000  }
0x54: {  	[tilespmem:s7], [sflag:$0x1] =	stream.indirect.gather [hbm4b:s5+s6], $0x80, s15, s6, $0xb8;
	[tilespmem:$0x10400] =	vst v63  }
0x55: {  	_ = 	snop  }
0x56: {  	[tilespmem:s8], [sflag:$0x1] =	stream.indirect.gather [hbm4b:s5+s6], $0x80, s16, s6, $0xb8;
	[tilespmem:$0x10400] =	vst v63  }
0x57: {  	_ = 	snop  }
0x58: {  	[tilespmem:s10], [sflag:$0x1] =	stream.indirect.gather [hbm4b:s5+s6], $0x80, s17, s6, $0xb8;
	[tilespmem:$0x10400] =	vst v63  }
0x59: {  	_ = 	snop  }
0x5a: {  	[tilespmem:s12], [sflag:$0x1] =	stream.indirect.gather [hbm4b:s5+s6], $0x80, s18, s6, $0xb8;
	[tilespmem:$0x10400] =	vst v63  }
0x5b: {  	_ =	swait.ge [sflag:s13], $0x4000  }
0x5c: {  	[sflag:s13] =	ssyncset.done $0x0  }
0x5d: {  	[sflag:s13] =	ssyncadd.s32 $0xFFFFC000  }
0x5e: {  	_ =	swait.ge [sflag:s13], $0x4000  }
0x5f: {  	[sflag:s13] =	ssyncset.done $0x0  }
0x60: {  	[sflag:s13] =	ssyncadd.s32 $0xFFFFC000  }
0x61: {  	_ =	swait.ge [sflag:s13], $0x4000  }
0x62: {  	[sflag:s13] =	ssyncset.done $0x0  }
0x63: {  	[sflag:s13] =	ssyncadd.s32 $0xFFFFC000  }
0x64: {  	_ =	swait.ge [sflag:s13], $0x4000  }
.Ltmp1:
0x65: {  	[sflag:s13] =	ssyncset.done $0x0;
	(pc) =	sbr.rel @p0 .LBB2_1-.Ltmp1, $4  }
0x66: {  	[sflag:s13] =	ssyncadd.s32 $0xFFFFC000  }
0x67: {  	[hbm4b:s19+s2] =	stream.linear.scatter [tilespmem:s7], [sflag:$0x2], $0x10000, $0x38;
	[tilespmem:$0x10400] =	vst v63  }
0x68: {  	_ =	swait.ge [sflag:s3], $0x10000  }
0x69: {  	[sflag:s3] =	ssyncset.done $0x0  }
.LBB2_2:
0x6a: {  	[sflag:s3] =	ssyncadd.s32 $0xFFFF0000  }
0x6b: {  	_ =	sfence.sel $0x180000  }
0x6c: {  	[bflag:$0x0] =	sbarrier.arrive $0xFFFF  }
0x6d: {  	p0 =	sne.s32 s0, $0x0;
	_ =	strace $0x90000047  }
0x6e: {  	s0 =	sadd.s32 @!p0 $0x100000, s1;
	[bflag:$0x2] =	sbarrier.arrive $0xFFFF  }
0x6f: {  	[sflag:s0] =	ssyncadd.tile.s32 @!p0 $0x1;
	_ =	shalt  }
.Lfunc_end2:
_tile_overlayer_lowered:
.L_overlay_start_2:
0x70: {  	(tag) =	ssettag $0x2  }
0x71: {  	s0 =	rddreg [dreg:$0x0];
	s2 =	stileid.u32  }
0x72: {  	s1 =	rddreg [dreg:$0x1];
	p0 =	sne.s32 s2, $0x0  }
0x73: {  	s3 =	rddreg [dreg:$0x2];
	[bflag:$0x3] =	sbarrier.arrive $0xFFFF;
	s2 =	simm.s32 @!p0 $0x1C02  }
0x74: {  	[timem:s3], [sflag:s2] =	dma.local @!p0 [hbm:s0], s1  }
0x75: {  	s0 =	simm.s32 @!p0 $0x2  }
0x76: {  	_ =	swait.ge @!p0 [sflag:s0], s1  }
0x77: {  	s1 =	ssub.s32 @!p0 $0x0, s1;
	[sflag:s0] =	ssyncset.done @!p0 $0x0  }
0x78: {  	[sflag:s0] =	ssyncadd.s32 @!p0 s1  }
0x79: {  	[bflag:$0x3] =	sbarrier.arrive $0xFFFF  }
0x7a: {  	_ =	shalt  }

</sc_bundles>
